<compile_context>
chip_gen: v7x
topology: tpu7x:2x2x1
jax: 0.10.2.dev20260603
libtpu: 0.0.44.dev20260713+nightly
codegen_flags: <defaults>
</compile_context>

<pallas_src>
import functools

import jax
import jax.numpy as jnp
from jax import lax
from jax.experimental import pallas as pl
from jax.experimental.pallas import tpu as pltpu
from jax.experimental.pallas import tpu_sc as plsc

N_VOCAB = 2048
SEQ = 8192
SEQ_OUT = 8193
N_ROWS = 4 * SEQ_OUT
NC, NS = 2, 16
NW = NC * NS
W_PER_B = NW // 4
ROWS_PER_W = SEQ // W_PER_B
G = 16
NGROUPS = 3
K_RING = 3
NMAIN = (NGROUPS // K_RING) * K_RING

_mesh = plsc.VectorSubcoreMesh(
    core_axis_name="c", subcore_axis_name="s", num_cores=NC, num_subcores=NS
)


@functools.partial(
    pl.kernel,
    out_type=jax.ShapeDtypeStruct((N_ROWS, N_VOCAB), jnp.float32),
    mesh=_mesh,
    scratch_types=[
        pltpu.VMEM((ROWS_PER_W,), jnp.int32),
        [pltpu.VMEM((G, N_VOCAB), jnp.float32)] * K_RING,
        [pltpu.VMEM((G,), jnp.int32)] * K_RING,
        pltpu.VMEM((16,), jnp.int32),
        [pltpu.SemaphoreType.DMA] * K_RING,
    ],
    compiler_params=pltpu.CompilerParams(
        use_tc_tiling_on_sc=False, needs_layout_passes=False
    ),
)
def _sc_onehot(ids_hbm, zeros_hbm, tail_hbm, out_hbm,
               ids_v, bufs, ridxs, tail_v, sems):
    cid = lax.axis_index("c")
    sid = lax.axis_index("s")
    wid = sid * NC + cid
    b = wid // W_PER_B
    row0 = b * SEQ_OUT + (wid % W_PER_B) * ROWS_PER_W

    rows16 = jnp.arange(G, dtype=jnp.int32)
    ones = jnp.full((G,), 1.0, jnp.float32)
    zeros16 = jnp.zeros((G,), jnp.float32)

    pltpu.sync_copy(ids_hbm.at[pl.ds(wid * ROWS_PER_W, ROWS_PER_W)], ids_v)
    for k in range(K_RING):
        pltpu.sync_copy(zeros_hbm, bufs[k])

    def put(buf, g, vals):
        idx = ids_v[pl.ds(g * G, G)]
        plsc.store_scatter(buf, [rows16, idx], vals)

    def start(k, g):
        ridxs[k][...] = row0 + g * G + rows16
        pltpu.async_copy(bufs[k], out_hbm.at[ridxs[k]], sems[k])

    def drain(k):
        pltpu.make_async_copy(bufs[k], out_hbm.at[ridxs[k]], sems[k]).wait()

    for g in range(K_RING):
        put(bufs[g], g, ones)
        start(g, g)

    def body(h, carry):
        for k in range(K_RING):
            g = K_RING * h + k
            drain(k)
            put(bufs[k], g - K_RING, zeros16)
            put(bufs[k], g, ones)
            start(k, g)
        return carry

    lax.fori_loop(1, NGROUPS // K_RING, body, 0)

    for g in range(NMAIN, NGROUPS):
        k = g % K_RING
        drain(k)
        put(bufs[k], g - K_RING, zeros16)
        put(bufs[k], g, ones)
        start(k, g)

    for k in range(K_RING):
        drain(k)

    k_last = (NGROUPS - 1) % K_RING

    @pl.when(wid < 4)
    def _tail():
        put(bufs[k_last], NGROUPS - 1, zeros16)
        pltpu.sync_copy(tail_hbm, tail_v)
        last_id = plsc.load_gather(tail_v, [jnp.full((G,), wid, jnp.int32)])
        plsc.store_scatter(bufs[k_last], [rows16, last_id], ones,
                           mask=rows16 == 0)
        pltpu.sync_copy(bufs[k_last].at[pl.ds(0, 1), :],
                        out_hbm.at[pl.ds(wid * SEQ_OUT + SEQ, 1), :])


def kernel(input_ids):
    ids = input_ids.astype(jnp.int32)
    shifted = jnp.pad(ids, ((0, 0), (1, 0)))[:, :SEQ].reshape(-1)
    tail = jnp.pad(ids[:, -1], (0, 12))
    zeros_blk = jnp.zeros((G, N_VOCAB), jnp.float32)
    out_flat = _sc_onehot(shifted, zeros_blk, tail)
    return out_flat.reshape(4, SEQ_OUT, N_VOCAB)

# --- scband reference (transcript-rebuilt; emitter-appended) ---
"""Pipeline reference for scband-text-input-4715874091103 (READ-ONLY COPY).

The authoritative reference and input builder live on the scoring server;
editing this copy changes nothing except your own understanding.
"""

import jax, jax.numpy as jnp
import numpy as np

N_VOCAB_IN = 2048
D_MODEL = 2048
BOS = 0

def setup_inputs(seed: int = 0) -> dict:
    key = jax.random.key(seed)
    input_ids = jax.random.randint(key, (4, 8192), 0, N_VOCAB_IN, dtype=jnp.int64 if jax.config.jax_enable_x64 else jnp.int32)
    return {"input_ids": input_ids}

def reference(input_ids):
    # pad(input_ids, (1, 0), 'constant', bos): prepend bos along last dim
    padded = jnp.pad(input_ids, ((0, 0), (1, 0)), mode='constant', constant_values=BOS)
    # one_hot(..., d_model).float()
    out = jax.nn.one_hot(padded, D_MODEL, dtype=jnp.float32)
    return out

if __name__ == "__main__":
    import jax
    _d = setup_inputs()
    print(jax.jit(kernel)(*tuple(_d.values())))

</pallas_src>

<mosaic_0001>
#map = affine_map<(d0, d1) -> (0)>
#map1 = affine_map<(d0, d1) -> (0, 0)>
module attributes {stable_mosaic.version = 14 : i64} {
  func.func @_sc_onehot(%arg0: i32, %arg1: i32, %arg2: memref<32768xi32, #tpu.memory_space<hbm>>, %arg3: memref<16x2048xf32, #tpu.memory_space<hbm>>, %arg4: memref<16xi32, #tpu.memory_space<hbm>>, %arg5: memref<32772x2048xf32, #tpu.memory_space<hbm>>, %arg6: memref<1024xi32, #tpu.memory_space<vmem>>, %arg7: memref<16x2048xf32, #tpu.memory_space<vmem>>, %arg8: memref<16x2048xf32, #tpu.memory_space<vmem>>, %arg9: memref<16x2048xf32, #tpu.memory_space<vmem>>, %arg10: memref<16xi32, #tpu.memory_space<vmem>>, %arg11: memref<16xi32, #tpu.memory_space<vmem>>, %arg12: memref<16xi32, #tpu.memory_space<vmem>>, %arg13: memref<16xi32, #tpu.memory_space<vmem>>, %arg14: memref<!tpu.dma_semaphore, #tpu.memory_space<semaphore_mem>>, %arg15: memref<!tpu.dma_semaphore, #tpu.memory_space<semaphore_mem>>, %arg16: memref<!tpu.dma_semaphore, #tpu.memory_space<semaphore_mem>>) attributes {dimension_semantics = [#tpu.dimension_semantics<core_parallel>, #tpu.dimension_semantics<subcore_parallel>], iteration_bounds = array<i64: 2, 16>, scalar_prefetch = 0 : i64, scratch_operands = 11 : i64, tpu.core_type = #tpu.core_type<sc_vector_subcore>, window_params = [{transform_indices = #map}, {transform_indices = #map1}, {transform_indices = #map}, {transform_indices = #map1}]} {
    %mul3A = arith.constant 2 : i32
    %mul3A_0 = arith.muli %arg1, %mul3A : i32
    %add3A = arith.addi %mul3A_0, %arg0 : i32
    %jit3A = arith.constant 8 : i32
    %div3A = arith.divsi %add3A, %jit3A : i32
    %sign3A = arith.constant 0 : i32
    %sign3A_1 = arith.cmpi sgt, %add3A, %sign3A : i32
    %sign3A_2 = arith.extui %sign3A_1 : i1 to i32
    %sign3A_3 = arith.constant 0 : i32
    %sign3A_4 = arith.cmpi slt, %add3A, %sign3A_3 : i32
    %sign3A_5 = arith.extui %sign3A_4 : i1 to i32
    %sign3A_6 = arith.subi %sign3A_2, %sign3A_5 : i32
    %sign3A_7 = arith.constant 0 : i32
    %sign3A_8 = arith.cmpi sgt, %jit3A, %sign3A_7 : i32
    %sign3A_9 = arith.extui %sign3A_8 : i1 to i32
    %sign3A_10 = arith.constant 0 : i32
    %sign3A_11 = arith.cmpi slt, %jit3A, %sign3A_10 : i32
    %sign3A_12 = arith.extui %sign3A_11 : i1 to i32
    %sign3A_13 = arith.subi %sign3A_9, %sign3A_12 : i32
    %ne3A = arith.cmpi ne, %sign3A_6, %sign3A_13 : i32
    %rem3A = arith.remsi %add3A, %jit3A : i32
    %ne3A_14 = arith.constant 0 : i32
    %ne3A_15 = arith.cmpi ne, %rem3A, %ne3A_14 : i32
    %and3A = arith.andi %ne3A, %ne3A_15 : i1
    %sub3A = arith.constant 1 : i32
    %sub3A_16 = arith.subi %div3A, %sub3A : i32
    %select_n3A = arith.select %and3A, %sub3A_16, %div3A : i32
    %mul3A_17 = arith.constant 8193 : i32
    %mul3A_18 = arith.muli %select_n3A, %mul3A_17 : i32
    %jit3A_19 = arith.constant 8 : i32
    %eq3A = arith.constant 0 : i32
    %eq3A_20 = arith.cmpi eq, %jit3A_19, %eq3A : i32
    %jit3A_21 = arith.constant 1 : i32
    %select_n3A_22 = arith.select %eq3A_20, %jit3A_21, %jit3A_19 : i32
    %rem3A_23 = arith.remsi %add3A, %select_n3A_22 : i32
    %ne3A_24 = arith.constant 0 : i32
    %ne3A_25 = arith.cmpi ne, %rem3A_23, %ne3A_24 : i32
    %lt3A = arith.constant 0 : i32
    %lt3A_26 = arith.cmpi slt, %rem3A_23, %lt3A : i32
    %lt3A_27 = arith.constant 0 : i32
    %lt3A_28 = arith.cmpi slt, %select_n3A_22, %lt3A_27 : i32
    %ne3A_29 = arith.xori %lt3A_26, %lt3A_28 : i1
    %and3A_30 = arith.andi %ne3A_29, %ne3A_25 : i1
    %add3A_31 = arith.addi %rem3A_23, %select_n3A_22 : i32
    %select_n3A_32 = arith.select %and3A_30, %add3A_31, %rem3A_23 : i32
    %mul3A_33 = arith.constant 1024 : i32
    %mul3A_34 = arith.muli %select_n3A_32, %mul3A_33 : i32
    %add3A_35 = arith.addi %mul3A_18, %mul3A_34 : i32
    %iota3A = tpu.iota {dimensions = array<i32: 0>} : vector<16xi32>
    %broadcast_in_dim3A = arith.constant 1.000000e+00 : f32
    %broadcast_in_dim3A_36 = vector.broadcast %broadcast_in_dim3A : f32 to vector<16xf32>
    %broadcast_in_dim3A_37 = arith.constant 0.000000e+00 : f32
    %broadcast_in_dim3A_38 = vector.broadcast %broadcast_in_dim3A_37 : f32 to vector<16xf32>
    %mul3A_39 = arith.constant 1024 : i32
    %mul3A_40 = arith.muli %add3A, %mul3A_39 : i32
    "tpu.region"() ({
      %run_scoped3A = tpu.sem_alloc : memref<!tpu.dma_semaphore, #tpu.memory_space<semaphore_mem>>
      %dma_start3A_86 = tpu.memref_slice %arg2[%mul3A_40] : memref<32768xi32, #tpu.memory_space<hbm>> -> memref<1024xi32, #tpu.memory_space<hbm>>
      %dma_start3A_87 = tpu.memref_slice %arg2[%mul3A_40] : memref<32768xi32, #tpu.memory_space<hbm>> -> memref<1024xi32, #tpu.memory_space<hbm>>
      tpu.enqueue_dma source(%dma_start3A_87 : memref<1024xi32, #tpu.memory_space<hbm>>) target(%arg6 : memref<1024xi32, #tpu.memory_space<vmem>>) target_semaphore(%run_scoped3A : memref<!tpu.dma_semaphore, #tpu.memory_space<semaphore_mem>>)
      %dma_wait3A_88 = tpu.memref_slice %arg2[%mul3A_40] : memref<32768xi32, #tpu.memory_space<hbm>> -> memref<1024xi32, #tpu.memory_space<hbm>>
      %dma_wait3A_89 = tpu.memref_slice %arg2[%mul3A_40] : memref<32768xi32, #tpu.memory_space<hbm>> -> memref<1024xi32, #tpu.memory_space<hbm>>
      tpu.wait_dma2 semaphore(%run_scoped3A : memref<!tpu.dma_semaphore, #tpu.memory_space<semaphore_mem>>) src(%dma_wait3A_89 : memref<1024xi32, #tpu.memory_space<hbm>>) dst(%arg6 : memref<1024xi32, #tpu.memory_space<vmem>>)
      tpu.yield
    }) : () -> ()
    "tpu.region"() ({
      %run_scoped3A = tpu.sem_alloc : memref<!tpu.dma_semaphore, #tpu.memory_space<semaphore_mem>>
      tpu.enqueue_dma source(%arg3 : memref<16x2048xf32, #tpu.memory_space<hbm>>) target(%arg7 : memref<16x2048xf32, #tpu.memory_space<vmem>>) target_semaphore(%run_scoped3A : memref<!tpu.dma_semaphore, #tpu.memory_space<semaphore_mem>>)
      tpu.wait_dma2 semaphore(%run_scoped3A : memref<!tpu.dma_semaphore, #tpu.memory_space<semaphore_mem>>) src(%arg3 : memref<16x2048xf32, #tpu.memory_space<hbm>>) dst(%arg7 : memref<16x2048xf32, #tpu.memory_space<vmem>>)
      tpu.yield
    }) : () -> ()
    "tpu.region"() ({
      %run_scoped3A = tpu.sem_alloc : memref<!tpu.dma_semaphore, #tpu.memory_space<semaphore_mem>>
      tpu.enqueue_dma source(%arg3 : memref<16x2048xf32, #tpu.memory_space<hbm>>) target(%arg8 : memref<16x2048xf32, #tpu.memory_space<vmem>>) target_semaphore(%run_scoped3A : memref<!tpu.dma_semaphore, #tpu.memory_space<semaphore_mem>>)
      tpu.wait_dma2 semaphore(%run_scoped3A : memref<!tpu.dma_semaphore, #tpu.memory_space<semaphore_mem>>) src(%arg3 : memref<16x2048xf32, #tpu.memory_space<hbm>>) dst(%arg8 : memref<16x2048xf32, #tpu.memory_space<vmem>>)
      tpu.yield
    }) : () -> ()
    "tpu.region"() ({
      %run_scoped3A = tpu.sem_alloc : memref<!tpu.dma_semaphore, #tpu.memory_space<semaphore_mem>>
      tpu.enqueue_dma source(%arg3 : memref<16x2048xf32, #tpu.memory_space<hbm>>) target(%arg9 : memref<16x2048xf32, #tpu.memory_space<vmem>>) target_semaphore(%run_scoped3A : memref<!tpu.dma_semaphore, #tpu.memory_space<semaphore_mem>>)
      tpu.wait_dma2 semaphore(%run_scoped3A : memref<!tpu.dma_semaphore, #tpu.memory_space<semaphore_mem>>) src(%arg3 : memref<16x2048xf32, #tpu.memory_space<hbm>>) dst(%arg9 : memref<16x2048xf32, #tpu.memory_space<vmem>>)
      tpu.yield
    }) : () -> ()
    %get3A = arith.constant 0 : index
    %get3A_41 = tpu.vector_load %arg6[%get3A] {strides = array<i32>} : memref<1024xi32, #tpu.memory_space<vmem>>, vector<16xi32>,
    tpu.vector_store_idx %arg7[%iota3A, %get3A_41], %broadcast_in_dim3A_36 : memref<16x2048xf32, #tpu.memory_space<vmem>>[vector<16xi32>, vector<16xi32>], vector<16xf32>,
    %add3A_42 = arith.constant 0 : i32
    %add3A_43 = arith.addi %add3A_35, %add3A_42 : i32
    %add3A_44 = vector.broadcast %add3A_43 : i32 to vector<16xi32>
    %add3A_45 = arith.addi %add3A_44, %iota3A : vector<16xi32>
    %swap3A = arith.constant 0 : index
    %swap3A_46 = tpu.vector_load %arg10[%swap3A] {strides = array<i32>} : memref<16xi32, #tpu.memory_space<vmem>>, vector<16xi32>,
    tpu.vector_store %arg10[%swap3A], %add3A_45 {strides = array<i32>} : memref<16xi32, #tpu.memory_space<vmem>>, vector<16xi32>,
    %dma_start3A = arith.constant 0 : i32
    %dma_start3A_47 = arith.constant 0 : i32
    %dma_start3A_48 = tpu.memref_slice %arg5[%dma_start3A, %dma_start3A_47] : memref<32772x2048xf32, #tpu.memory_space<hbm>> -> memref<32772x2048xf32, #tpu.memory_space<hbm>>
    tpu.enqueue_indirect_dma source(%arg7 : memref<16x2048xf32, #tpu.memory_space<vmem>>) target(%dma_start3A_48 : memref<32772x2048xf32, #tpu.memory_space<hbm>>) offsets(%arg10 : memref<16xi32, #tpu.memory_space<vmem>>) semaphore(%arg14 : memref<!tpu.dma_semaphore, #tpu.memory_space<semaphore_mem>>)
    %get3A_49 = arith.constant 16 : index
    %get3A_50 = tpu.vector_load %arg6[%get3A_49] {strides = array<i32>} : memref<1024xi32, #tpu.memory_space<vmem>>, vector<16xi32>,
    tpu.vector_store_idx %arg8[%iota3A, %get3A_50], %broadcast_in_dim3A_36 : memref<16x2048xf32, #tpu.memory_space<vmem>>[vector<16xi32>, vector<16xi32>], vector<16xf32>,
    %add3A_51 = arith.constant 16 : i32
    %add3A_52 = arith.addi %add3A_35, %add3A_51 : i32
    %add3A_53 = vector.broadcast %add3A_52 : i32 to vector<16xi32>
    %add3A_54 = arith.addi %add3A_53, %iota3A : vector<16xi32>
    %swap3A_55 = arith.constant 0 : index
    %swap3A_56 = tpu.vector_load %arg11[%swap3A_55] {strides = array<i32>} : memref<16xi32, #tpu.memory_space<vmem>>, vector<16xi32>,
    tpu.vector_store %arg11[%swap3A_55], %add3A_54 {strides = array<i32>} : memref<16xi32, #tpu.memory_space<vmem>>, vector<16xi32>,
    %dma_start3A_57 = arith.constant 0 : i32
    %dma_start3A_58 = arith.constant 0 : i32
    %dma_start3A_59 = tpu.memref_slice %arg5[%dma_start3A_57, %dma_start3A_58] : memref<32772x2048xf32, #tpu.memory_space<hbm>> -> memref<32772x2048xf32, #tpu.memory_space<hbm>>
    tpu.enqueue_indirect_dma source(%arg8 : memref<16x2048xf32, #tpu.memory_space<vmem>>) target(%dma_start3A_59 : memref<32772x2048xf32, #tpu.memory_space<hbm>>) offsets(%arg11 : memref<16xi32, #tpu.memory_space<vmem>>) semaphore(%arg15 : memref<!tpu.dma_semaphore, #tpu.memory_space<semaphore_mem>>)
    %get3A_60 = arith.constant 32 : index
    %get3A_61 = tpu.vector_load %arg6[%get3A_60] {strides = array<i32>} : memref<1024xi32, #tpu.memory_space<vmem>>, vector<16xi32>,
    tpu.vector_store_idx %arg9[%iota3A, %get3A_61], %broadcast_in_dim3A_36 : memref<16x2048xf32, #tpu.memory_space<vmem>>[vector<16xi32>, vector<16xi32>], vector<16xf32>,
    %add3A_62 = arith.constant 32 : i32
    %add3A_63 = arith.addi %add3A_35, %add3A_62 : i32
    %add3A_64 = vector.broadcast %add3A_63 : i32 to vector<16xi32>
    %add3A_65 = arith.addi %add3A_64, %iota3A : vector<16xi32>
    %swap3A_66 = arith.constant 0 : index
    %swap3A_67 = tpu.vector_load %arg12[%swap3A_66] {strides = array<i32>} : memref<16xi32, #tpu.memory_space<vmem>>, vector<16xi32>,
    tpu.vector_store %arg12[%swap3A_66], %add3A_65 {strides = array<i32>} : memref<16xi32, #tpu.memory_space<vmem>>, vector<16xi32>,
    %dma_start3A_68 = arith.constant 0 : i32
    %dma_start3A_69 = arith.constant 0 : i32
    %dma_start3A_70 = tpu.memref_slice %arg5[%dma_start3A_68, %dma_start3A_69] : memref<32772x2048xf32, #tpu.memory_space<hbm>> -> memref<32772x2048xf32, #tpu.memory_space<hbm>>
    tpu.enqueue_indirect_dma source(%arg9 : memref<16x2048xf32, #tpu.memory_space<vmem>>) target(%dma_start3A_70 : memref<32772x2048xf32, #tpu.memory_space<hbm>>) offsets(%arg12 : memref<16xi32, #tpu.memory_space<vmem>>) semaphore(%arg16 : memref<!tpu.dma_semaphore, #tpu.memory_space<semaphore_mem>>)
    %scan3A = arith.constant 0 : i32
    %scan3A_71 = arith.constant 1 : i32
    %scan3A_72 = arith.constant 0 : i32
    %scan3A_73 = arith.addi %scan3A_71, %scan3A_72 : i32
    %scan3A_74 = arith.constant 0 : i32
    %dma_wait3A = arith.constant 0 : i32
    %dma_wait3A_75 = arith.constant 0 : i32
    %dma_wait3A_76 = tpu.memref_slice %arg5[%dma_wait3A, %dma_wait3A_75] : memref<32772x2048xf32, #tpu.memory_space<hbm>> -> memref<32772x2048xf32, #tpu.memory_space<hbm>>
    tpu.wait_indirect_dma semaphore(%arg14 : memref<!tpu.dma_semaphore, #tpu.memory_space<semaphore_mem>>) src(%arg7 : memref<16x2048xf32, #tpu.memory_space<vmem>>) dst(%dma_wait3A_76 : memref<32772x2048xf32, #tpu.memory_space<hbm>>)
    %dma_wait3A_77 = arith.constant 0 : i32
    %dma_wait3A_78 = arith.constant 0 : i32
    %dma_wait3A_79 = tpu.memref_slice %arg5[%dma_wait3A_77, %dma_wait3A_78] : memref<32772x2048xf32, #tpu.memory_space<hbm>> -> memref<32772x2048xf32, #tpu.memory_space<hbm>>
    tpu.wait_indirect_dma semaphore(%arg15 : memref<!tpu.dma_semaphore, #tpu.memory_space<semaphore_mem>>) src(%arg8 : memref<16x2048xf32, #tpu.memory_space<vmem>>) dst(%dma_wait3A_79 : memref<32772x2048xf32, #tpu.memory_space<hbm>>)
    %dma_wait3A_80 = arith.constant 0 : i32
    %dma_wait3A_81 = arith.constant 0 : i32
    %dma_wait3A_82 = tpu.memref_slice %arg5[%dma_wait3A_80, %dma_wait3A_81] : memref<32772x2048xf32, #tpu.memory_space<hbm>> -> memref<32772x2048xf32, #tpu.memory_space<hbm>>
    tpu.wait_indirect_dma semaphore(%arg16 : memref<!tpu.dma_semaphore, #tpu.memory_space<semaphore_mem>>) src(%arg9 : memref<16x2048xf32, #tpu.memory_space<vmem>>) dst(%dma_wait3A_82 : memref<32772x2048xf32, #tpu.memory_space<hbm>>)
    %lt3A_83 = arith.constant 4 : i32
    %lt3A_84 = arith.cmpi slt, %add3A, %lt3A_83 : i32
    %convert_element_type3A = arith.extui %lt3A_84 : i1 to i32
    %cond3A = arith.constant 0 : i32
    %cond3A_85 = arith.cmpi ne, %convert_element_type3A, %cond3A : i32
    scf.if %cond3A_85 {
      %get3A_86 = arith.constant 32 : index
      %get3A_87 = tpu.vector_load %arg6[%get3A_86] {strides = array<i32>} : memref<1024xi32, #tpu.memory_space<vmem>>, vector<16xi32>,
      tpu.vector_store_idx %arg9[%iota3A, %get3A_87], %broadcast_in_dim3A_38 : memref<16x2048xf32, #tpu.memory_space<vmem>>[vector<16xi32>, vector<16xi32>], vector<16xf32>,
      "tpu.region"() ({
        %run_scoped3A = tpu.sem_alloc : memref<!tpu.dma_semaphore, #tpu.memory_space<semaphore_mem>>
        tpu.enqueue_dma source(%arg4 : memref<16xi32, #tpu.memory_space<hbm>>) target(%arg13 : memref<16xi32, #tpu.memory_space<vmem>>) target_semaphore(%run_scoped3A : memref<!tpu.dma_semaphore, #tpu.memory_space<semaphore_mem>>)
        tpu.wait_dma2 semaphore(%run_scoped3A : memref<!tpu.dma_semaphore, #tpu.memory_space<semaphore_mem>>) src(%arg4 : memref<16xi32, #tpu.memory_space<hbm>>) dst(%arg13 : memref<16xi32, #tpu.memory_space<vmem>>)
        tpu.yield
      }) : () -> ()
      %broadcast_in_dim3A_88 = vector.broadcast %add3A : i32 to vector<16xi32>
      %gather3A = tpu.vector_load_idx %arg13[%broadcast_in_dim3A_88] : memref<16xi32, #tpu.memory_space<vmem>>[vector<16xi32>], vector<16xi32>,
      %eq3A_89 = arith.constant 0 : i32
      %eq3A_90 = vector.broadcast %eq3A_89 : i32 to vector<16xi32>
      %eq3A_91 = arith.cmpi eq, %iota3A, %eq3A_90 : vector<16xi32>
      tpu.vector_store_idx %arg9[%iota3A, %gather3A], %broadcast_in_dim3A_36 masked %eq3A_91 : memref<16x2048xf32, #tpu.memory_space<vmem>>[vector<16xi32>, vector<16xi32>], vector<16xf32>, vector<16xi1>
      %mul3A_92 = arith.constant 8193 : i32
      %mul3A_93 = arith.muli %add3A, %mul3A_92 : i32
      %add3A_94 = arith.constant 8192 : i32
      %add3A_95 = arith.addi %mul3A_93, %add3A_94 : i32
      "tpu.region"() ({
        %run_scoped3A = tpu.sem_alloc : memref<!tpu.dma_semaphore, #tpu.memory_space<semaphore_mem>>
        %dma_start3A_96 = arith.constant 0 : i32
        %dma_start3A_97 = arith.constant 0 : i32
        %dma_start3A_98 = tpu.memref_slice %arg9[%dma_start3A_96, %dma_start3A_97] : memref<16x2048xf32, #tpu.memory_space<vmem>> -> memref<1x2048xf32, #tpu.memory_space<vmem>>
        %dma_start3A_99 = arith.constant 0 : i32
        %dma_start3A_100 = tpu.memref_slice %arg5[%add3A_95, %dma_start3A_99] : memref<32772x2048xf32, #tpu.memory_space<hbm>> -> memref<1x2048xf32, #tpu.memory_space<hbm>>
        %dma_start3A_101 = arith.constant 0 : i32
        %dma_start3A_102 = tpu.memref_slice %arg5[%add3A_95, %dma_start3A_101] : memref<32772x2048xf32, #tpu.memory_space<hbm>> -> memref<1x2048xf32, #tpu.memory_space<hbm>>
        %dma_start3A_103 = arith.constant 0 : i32
        %dma_start3A_104 = arith.constant 0 : i32
        %dma_start3A_105 = tpu.memref_slice %arg9[%dma_start3A_103, %dma_start3A_104] : memref<16x2048xf32, #tpu.memory_space<vmem>> -> memref<1x2048xf32, #tpu.memory_space<vmem>>
        tpu.enqueue_dma source(%dma_start3A_105 : memref<1x2048xf32, #tpu.memory_space<vmem>>) target(%dma_start3A_102 : memref<1x2048xf32, #tpu.memory_space<hbm>>) target_semaphore(%run_scoped3A : memref<!tpu.dma_semaphore, #tpu.memory_space<semaphore_mem>>)
        %dma_wait3A_106 = arith.constant 0 : i32
        %dma_wait3A_107 = arith.constant 0 : i32
        %dma_wait3A_108 = tpu.memref_slice %arg9[%dma_wait3A_106, %dma_wait3A_107] : memref<16x2048xf32, #tpu.memory_space<vmem>> -> memref<1x2048xf32, #tpu.memory_space<vmem>>
        %dma_wait3A_109 = arith.constant 0 : i32
        %dma_wait3A_110 = tpu.memref_slice %arg5[%add3A_95, %dma_wait3A_109] : memref<32772x2048xf32, #tpu.memory_space<hbm>> -> memref<1x2048xf32, #tpu.memory_space<hbm>>
        %dma_wait3A_111 = arith.constant 0 : i32
        %dma_wait3A_112 = tpu.memref_slice %arg5[%add3A_95, %dma_wait3A_111] : memref<32772x2048xf32, #tpu.memory_space<hbm>> -> memref<1x2048xf32, #tpu.memory_space<hbm>>
        %dma_wait3A_113 = arith.constant 0 : i32
        %dma_wait3A_114 = arith.constant 0 : i32
        %dma_wait3A_115 = tpu.memref_slice %arg9[%dma_wait3A_113, %dma_wait3A_114] : memref<16x2048xf32, #tpu.memory_space<vmem>> -> memref<1x2048xf32, #tpu.memory_space<vmem>>
        tpu.wait_dma2 semaphore(%run_scoped3A : memref<!tpu.dma_semaphore, #tpu.memory_space<semaphore_mem>>) src(%dma_wait3A_115 : memref<1x2048xf32, #tpu.memory_space<vmem>>) dst(%dma_wait3A_112 : memref<1x2048xf32, #tpu.memory_space<hbm>>)
        tpu.yield
      }) : () -> ()
    } else {
    }
    return
  }
}

</mosaic_0001>

<sc_bundles>
// kernel: kernel.3.cloned.1.call-start
scs
__scs_entry_jumppad:
0x0: {  	(pc) =	sbr.rel $0x88, $3  }
0x1: {  	(tag) =	ssettag $0x0;
	lr =	simm.s32 $0x1  }
0x2: {  	[smem:$0x3FA0] =	sst lr;
	_ =	strace $0xD0000000  }
0x3: {  	_ = 	snop  }
0x4: {  	_ = 	snop  }
0x5: {  	_ = 	snop  }
0x6: {  	_ = 	snop  }
0x7: {  	_ = 	snop  }
__scs_overlays_trampoline_lowered:
0x8: {  	[smem:$0x3FAF] =	sst s0  }
0x9: {  	[smem:$0x3FB0] =	sst s1  }
0xa: {  	[smem:$0x3FB1] =	sst s2  }
0xb: {  	[smem:$0x3FB2] =	sst s3  }
0xc: {  	[smem:$0x3FB3] =	sst s4  }
0xd: {  	[smem:$0x3FB4] =	sst s5  }
0xe: {  	[smem:$0x3FB5] =	sst s6  }
0xf: {  	[smem:$0x3FB6] =	sst s7  }
0x10: {  	[smem:$0x3FB7] =	sst s8  }
0x11: {  	[smem:$0x3FB8] =	sst s9;
	s0 =	simm.s32 @!p0 $0x0  }
0x12: {  	s1 =	sld [smem:$0x3F9E];
	s0 =	simm.s32 @p0 $0x1  }
0x13: {  	[smem:$0x3FB9] =	sst s0;
	s0 =	simm.s32 @!p1 $0x0  }
0x14: {  	s2 =	sld [smem:$0x3F9D];
	s0 =	simm.s32 @p1 $0x1  }
0x15: {  	[smem:$0x3FBA] =	sst s0;
	s0 =	simm.s32 @!p2 $0x0  }
0x16: {  	s3 =	sld [smem:$0x3FDB];
	s0 =	simm.s32 @p2 $0x1  }
0x17: {  	s4 =	simm.s32 $0x1BF5;
	[smem:$0x3FBC] =	sst s0  }
0x18: {  	s0 =	sld [smem:$0x3F9F];
	_ =	swait.ge [sflag:s4], $0x0  }
0x19: {  	s7 =	sld [smem:$0x3FA0]  }
0x1a: {  	s8 =	sadd.s32 $0xFFFFE003, lr  }
0x1b: {  	s9 =	sadd.s32 $0xFFFFFEF7, lr;
	s5 =	simm.s32 $0xFFFFFFFF;
	p2 =	slt.u32 s8, $0xFFFFF086  }
0x1c: {  	p1 =	slt.u32 s9, $0xF7A;
	s5 =	simm.s32 @!p2 $0x0  }
0x1d: {  	s5 =	simm.s32 @p1 $0x1;
	p0 =	seq.s32 s7, s2  }
0x1e: {  	s7 =	smul.u32 @!p0 $0xF7A, s2;
	p2 =	seq.s32 @!p0 s5, $0x0  }
0x1f: {  	s9 =	smul.u32 $0xF7A, s1;
	s8 =	simm.s32 @!p0 $0x1BF5;
	p2 =	por !p2, p0  }
0x20: {  	[sflag:s8] =	ssyncset.s32 @!p0 $0xFFFFF086;
	s6 =	sadd.s32 @!p0 s3, s7;
	s7 =	simm.s32 @!p0 $0x108  }
0x21: {  	s3 =	sadd.s32 s3, s9;
	s6 =	sadd.s32 @!p0 $0x88, s6;
	s7 =	simm.s32 @p2 $0x1082  }
0x22: {  	[simem:s7], [sflag:s8] =	dma.local @!p0 [hbm:s6], $0xF7A  }
0x23: {  	s9 =	sor.u32 $0xD0000000, s2;
	s6 =	simm.s32 $0x108;
	_ =	swait.ge @!p0 [sflag:s8], $0x0  }
0x24: {  	s3 =	sadd.s32 $0x88, s3;
	s6 =	simm.s32 @!p1 $0x1082;
	[sflag:s4] =	ssyncset.s32 $0xFFFFF086  }
0x25: {  	[simem:s6], [sflag:s4] =	dma.local [hbm:s3], $0xF7A  }
0x26: {  	[smem:$0x3FA0] =	sst s1;
	(tag) =	ssettag s2;
	_ =	strace s9  }
0x27: {  	s1 =	sld [smem:$0x3FB0]  }
0x28: {  	s2 =	sld [smem:$0x3FB1]  }
0x29: {  	s4 =	sld [smem:$0x3FB3]  }
0x2a: {  	p0 =	seq.s32 s5, $0x0;
	s5 =	sld [smem:$0x3FB4]  }
0x2b: {  	s6 =	sld [smem:$0x3FB5]  }
0x2c: {  	s7 =	sld [smem:$0x3FB6]  }
0x2d: {  	s3 =	simm.s32 $0x108;
	s8 =	sld [smem:$0x3FB7]  }
0x2e: {  	s3 =	simm.s32 @!p0 $0x1082;
	s9 =	sld [smem:$0x3FB8]  }
0x2f: {  	lr =	sadd.s32 s0, s3;
	s0 =	sld [smem:$0x3FAF]  }
0x30: {  	s3 =	sld [smem:$0x3FB2]  }
0x31: {  	[smem:$0x3FBB] =	sst s10  }
0x32: {  	s10 =	sld [smem:$0x3FB9];
	_ =	sdelay $0x3  }
0x33: {  	p0 =	seq.s32 s10, $0x1;
	s10 =	sld [smem:$0x3FBB];
	_ =	sdelay $0x3  }
0x34: {  	[smem:$0x3FBB] =	sst s10  }
0x35: {  	s10 =	sld [smem:$0x3FBA];
	_ =	sdelay $0x3  }
0x36: {  	p1 =	seq.s32 s10, $0x1;
	s10 =	sld [smem:$0x3FBB];
	_ =	sdelay $0x3  }
0x37: {  	[smem:$0x3FBB] =	sst s10  }
0x38: {  	s10 =	sld [smem:$0x3FBC]  }
0x39: {  	_ = 	snop;
	(pc) =	sbr.ind lr, $3  }
0x3a: {  	_ = 	snop  }
0x3b: {  	_ = 	snop  }
0x3c: {  	p2 =	seq.s32 s10, $0x1;
	s10 =	sld [smem:$0x3FBB]  }
0x3d: {  	_ =	shalt  }
0x3e: {  	_ =	shalt  }
0x3f: {  	_ =	shalt  }
0x40: {  	_ =	shalt  }
0x41: {  	_ =	shalt  }
0x42: {  	_ =	shalt  }
0x43: {  	_ =	shalt  }
0x44: {  	_ =	shalt  }
0x45: {  	_ =	shalt  }
0x46: {  	_ =	shalt  }
0x47: {  	_ =	shalt  }
0x48: {  	_ =	shalt  }
0x49: {  	_ =	shalt  }
0x4a: {  	_ =	shalt  }
0x4b: {  	_ =	shalt  }
0x4c: {  	_ =	shalt  }
0x4d: {  	_ =	shalt  }
0x4e: {  	_ =	shalt  }
0x4f: {  	_ =	shalt  }
0x50: {  	_ =	shalt  }
0x51: {  	_ =	shalt  }
0x52: {  	_ =	shalt  }
0x53: {  	_ =	shalt  }
0x54: {  	_ =	shalt  }
0x55: {  	_ =	shalt  }
0x56: {  	_ =	shalt  }
0x57: {  	_ =	shalt  }
0x58: {  	_ =	shalt  }
0x59: {  	_ =	shalt  }
0x5a: {  	_ =	shalt  }
0x5b: {  	_ =	shalt  }
0x5c: {  	_ =	shalt  }
0x5d: {  	_ =	shalt  }
0x5e: {  	_ =	shalt  }
0x5f: {  	_ =	shalt  }
0x60: {  	_ =	shalt  }
0x61: {  	_ =	shalt  }
0x62: {  	_ =	shalt  }
0x63: {  	_ =	shalt  }
0x64: {  	_ =	shalt  }
0x65: {  	_ =	shalt  }
0x66: {  	_ =	shalt  }
0x67: {  	_ =	shalt  }
0x68: {  	_ =	shalt  }
0x69: {  	_ =	shalt  }
0x6a: {  	_ =	shalt  }
0x6b: {  	_ =	shalt  }
0x6c: {  	_ =	shalt  }
0x6d: {  	_ =	shalt  }
0x6e: {  	_ =	shalt  }
0x6f: {  	_ =	shalt  }
0x70: {  	_ =	shalt  }
0x71: {  	_ =	shalt  }
0x72: {  	_ =	shalt  }
0x73: {  	_ =	shalt  }
0x74: {  	_ =	shalt  }
0x75: {  	_ =	shalt  }
0x76: {  	_ =	shalt  }
0x77: {  	_ =	shalt  }
0x78: {  	_ =	shalt  }
0x79: {  	_ =	shalt  }
0x7a: {  	_ =	shalt  }
0x7b: {  	_ =	shalt  }
0x7c: {  	_ =	shalt  }
0x7d: {  	_ =	shalt  }
0x7e: {  	_ =	shalt  }
0x7f: {  	_ =	shalt  }
0x80: {  	_ =	shalt  }
0x81: {  	_ =	shalt  }
0x82: {  	_ =	shalt  }
0x83: {  	_ =	shalt  }
0x84: {  	_ =	shalt  }
0x85: {  	_ =	shalt  }
0x86: {  	_ =	shalt  }
0x87: {  	_ =	shalt  }
.Lfunc_end0:
.L_simem_size_0:
called_computation_lowered:
.L_overlay_start_0:
0x88: {  	s2 =	sld [smem:$0x3FD9]  }
0x89: {  	s3 =	sld [smem:$0x3FFE];
	_ =	sdelay $0x1  }
0x8a: {  	s1 =	srdreg.scid  }
0x8b: {  	s0 =	sand.u32 $0x1, s1  }
0x8c: {  	s17 =	sshll.u32 s0, $0xA;
	s2 =	sadd.s32 s3, s2  }
0x8d: {  	s2 =	sadd.s32 s2, s17  }
0x8e: {  	[smem:$0x3FC7] =	sst s2  }
0x8f: {  	_ = 	snop  }
0x90: {  	s2 =	sld [smem:$0x3FD0];
	(tm) =	ssettm $0x1  }
0x91: {  	s18 =	sld [smem:$0x3FFB];
	_ =	sdelay $0x3  }
0x92: {  	_ =	strace s18  }
0x93: {  	s3 =	sld [smem:$0x3FFC];
	_ =	sdelay $0x3  }
0x94: {  	_ =	strace s3  }
0x95: {  	s3 =	sld [smem:$0x3FFD];
	_ =	sdelay $0x3  }
0x96: {  	_ =	strace s3  }
0x97: {  	_ =	strace $0x8FFFFFFF  }
0x98: {  	s19 =	sld [smem:$0x3FDB];
	_ =	sdelay $0x1  }
0x99: {  	s4 =	simm.s32 $_scs_section_size  }
0x9a: {  	s5 =	simm.s32 $_size__tile_overlayer_lowered;
	s6 =	simm.s32 $_tile_overlayer_lowered  }
0x9b: {  	s22 =	simm.s32 $0x1BFF;
	s21 =	sshll.u32 s6, $0x1;
	s3 =	sadd.s32 s4, s19  }
0x9c: {  	s7 =	simm.s32 $0x0;
	s20 =	sshll.u32 s5, $0x1;
	s5 =	sadd.s32 s21, s3  }
0x9d: {  	[timem:s7], [sflag:s22] =	dma.local [hbm:s5], s20  }
0x9e: {  	_ =	swait.ge [sflag:s22], s20  }
0x9f: {  	s4 =	ssub.s32 $0x0, s20;
	[sflag:s22] =	ssyncset.done $0x0  }
0xa0: {  	[sflag:s22] =	ssyncadd.s32 s4;
	_ =	sdelay $0x1  }
0xa1: {  	s23 =	simm.s32 $0x1B8B  }
0xa2: {  	_ =	swait.ge [sflag:s23], $0x1  }
0xa3: {  	[sflag:s23] =	ssyncset.done $0x0  }
0xa4: {  	s25 =	simm.s32 $0x1B8E;
	s24 =	sld [smem:$0x3FFE];
	[sflag:s23] =	ssyncadd.s32 $0xFFFFFFFF  }
0xa5: {  	s26 =	simm.s32 $execute0_lowered;
	[smem:$0x3FD2] =	sst s25  }
0xa6: {  	s5 =	sshll.u32 s26, $0x1;
	_ =	strace $0x80000046;
	[dreg:$0x1] =	wrdreg $0xFFFFFFFF  }
0xa7: {  	s28 =	simm.s32 $_size_execute0_lowered;
	s3 =	sadd.s32 s3, s5;
	[dreg:$0x0] =	wrdreg $0x0  }
0xa8: {  	s5 =	sshll.u32 s28, $0x1;
	[dreg:$0x2] =	wrdreg s3  }
0xa9: {  	[dreg:$0x3] =	wrdreg s5  }
0xaa: {  	[dreg:$0x4] =	wrdreg $0xC0  }
0xab: {  	_ =	task [dreg:s7], $0x5FFFF  }
0xac: {  	[dreg:$0x1] =	wrdreg $0xFFFFFFFF  }
0xad: {  	[dreg:$0x0] =	wrdreg $0x60  }
0xae: {  	[dreg:$0x2] =	wrdreg s24  }
0xaf: {  	[dreg:$0x3] =	wrdreg s2  }
0xb0: {  	[dreg:$0x4] =	wrdreg $0x9  }
0xb1: {  	_ =	task.clear_ibuf [dreg:s7], $0x5FFFF;
	_ =	strace $0x90000046  }
0xb2: {  	s29 =	simm.s32 $0x9;
	_ =	strace $0x80000048  }
0xb3: {  	_ =	swait.ge [sflag:s29], $0x1  }
0xb4: {  	[sflag:s29] =	ssyncadd.s32 $0xFFFFFFFF  }
0xb5: {  	_ =	strace $0x90000048  }
0xb6: {  	_ =	sfence  }
0xb7: {  	s30 =	sld [smem:$0x0];
	_ =	sdelay $0x2  }
0xb8: {  	s31 =	sshll.u32 s1, $0xD;
	s1 =	sshrl.u32 s1, $0x2  }
0xb9: {  	s3 =	sand.u32 $0x4000, s31;
	s1 =	sadd.s32 s1, s30  }
0xba: {  	s0 =	sor.u32 s3, s0;
	s1 =	sshll.u32 s1, $0x11  }
0xbb: {  	s0 =	sor.u32 s1, s0  }
0xbc: {  	s0 =	sadd.s32 $0x8F2B, s0  }
0xbd: {  	[sflag:s0] =	ssyncadd.remote.s32 $0x1  }
0xbe: {  	_ =	sfence.sel $0xFFFF  }
0xbf: {  	[dreg:$0x0] =	wrdreg $0xFFFFFFFF;
	(pc) =	sbr.abs _section_cstart, $3  }
0xc0: {  	[dreg:$0x1] =	wrdreg $0xFFFFFFFF  }
0xc1: {  	_ =	task.clear_ibuf [dreg:s7], $0x2FFFF;
	_ =	strace $0x9FFFFFFF  }
0xc2: {  	(tm) =	ssettm $0x7FFFFFFF  }
0xc3: {  	_ =	shalt  }
tec
execute0_lowered:
.L_overlay_start_1:
0x0: {  	(tag) =	ssettag $0x1  }
0x1: {  	s5 =	rddreg [dreg:$0x0]  }
0x2: {  	s2 =	rddreg [dreg:$0x1]  }
0x3: {  	s0 =	rddreg [dreg:$0x2];
	s4 =	srdreg.scid  }
0x4: {  	s1 =	stileid.u32;
	s3 =	simm.s32 $0x0;
	s12 =	simm.s32 $0x10400  }
0x5: {  	s13 =	simm.s32 $0x10;
	s18 =	simm.s32 $0x2;
	s19 =	simm.s32 $0x3  }
0x6: {  	s6 =	sand.u32 $0x1, s4;
	s30 =	sshll.u32 s1, $0x1;
	[smem:$0x7FF] =	sst s3  }
0x7: {  	s7 =	sshrl.u32 s1, $0x2;
	p0 =	sgt.u32 s1, $0x1;
	s17 =	sor.u32 s6, s30  }
0x8: {  	_ =	strace $0x80000047;
	s7 =	smul.u32 $0x2001, s7;
	s6 =	ssub.s32 $0x2, s6  }
0x9: {  	s4 =	sshll.u32 s17, $0x7;
	s9 =	sshll.u32 s17, $0xA;
	s10 =	smul.u32 $0x1000800, s17  }
0xa: {  	s11 =	sshrl.u32 s6, $0x1;
	v3 =	vmov s17;
	s17 =	simm.s32 $0x1;
	s8 =	sadd.s32 s4, s5  }
0xb: {  	s4 =	sadd.s32 $0x1600, s5;
	s5 =	sadd.s32 $0x1400, s5;
	s9 =	sand.u32 $0x1C00, s9  }
0xc: {  	s11 =	ssub.s32 s6, s11;
	s14 =	sadd.s32 s7, s9;
	s31 =	sshrl.u32 s10, $0x3  }
0xd: {  	s6 =	sadd.s32 $0x400, s8;
	s8 =	smax.u32 s11, $0x1;
	s9 =	simm.s32 $0x4  }
0xe: {  	v4 =	vlaneseq.u32;
	s10 =	simm.s32 $0x400;
	s11 =	simm.s32 $0x8400;
	s15 =	sadd.s32 $0x10, s14  }
0xf: {  	v5 =	vimm.f32 $1.000000000e+00;
	s7 =	sadd.s32 s2, s31;
	s16 =	sadd.s32 $0x20, s14;
	v0 =	vadd.s32 s14, v4;
	s14 =	simm.s32 $0x18400  }
0x10: {  	s7 =	sadd.s32 $0x200000, s7;
	v1 =	vadd.s32 s15, v4;
	v2 =	vadd.s32 s16, v4;
	s15 =	simm.s32 $0x18410;
	s16 =	simm.s32 $0x18420;
	v4 =	vmul.u32 $0x800, v4  }
.LBB2_1:
0x11: {  	[tilespmem:s3], [sflag:$0x4] =	stream.linear.gather [hbm4b:s6+s3], $0x400, $0x38;
	[tilespmem:$0x18440] =	vst v63  }
0x12: {  	_ =	swait.ge [sflag:s9], $0x400  }
0x13: {  	[sflag:s9] =	ssyncset.done $0x0  }
0x14: {  	[sflag:s9] =	ssyncadd.s32 $0xFFFFFC00  }
0x15: {  	[tilespmem:s10], [sflag:$0x4] =	stream.linear.gather [hbm4b:s4+s3], $0x8000, $0x38;
	[tilespmem:$0x18440] =	vst v63  }
0x16: {  	_ =	swait.ge [sflag:s9], $0x8000  }
0x17: {  	[sflag:s9] =	ssyncset.done $0x0  }
0x18: {  	[sflag:s9] =	ssyncadd.s32 $0xFFFF8000  }
0x19: {  	[tilespmem:s11], [sflag:$0x4] =	stream.linear.gather [hbm4b:s4+s3], $0x8000, $0x38;
	[tilespmem:$0x18440] =	vst v63  }
0x1a: {  	_ =	swait.ge [sflag:s9], $0x8000  }
0x1b: {  	[sflag:s9] =	ssyncset.done $0x0  }
0x1c: {  	[sflag:s9] =	ssyncadd.s32 $0xFFFF8000  }
0x1d: {  	[tilespmem:s12], [sflag:$0x4] =	stream.linear.gather [hbm4b:s4+s3], $0x8000, $0x38;
	[tilespmem:$0x18440] =	vst v63  }
0x1e: {  	_ =	swait.ge [sflag:s9], $0x8000  }
0x1f: {  	[sflag:s9] =	ssyncset.done $0x0  }
0x20: {  	[sflag:s9] =	ssyncadd.s32 $0xFFFF8000  }
0x21: {  	v6 =	vld [tilespmem:$0x0];
	_ =	sdelay $0x4  }
0x22: {  	v6 =	vadd.s32 v4, v6;
	_ =	sdelay $0x4  }
0x23: {  	[tilespmem:v6+s10+$0x0] =	vst.idx.msk $0xffff, v5  }
0x24: {  	[tilespmem:$0x18400] =	vst v0  }
0x25: {  	[hbm4b:s2+s13] =	stream.indirect.scatter [tilespmem:s10], [sflag:$0x1], $0x800, s14, s13, $0xb8;
	[tilespmem:$0x18440] =	vst v63  }
0x26: {  	v6 =	vld [tilespmem:$0x10];
	_ =	sdelay $0x4  }
0x27: {  	v6 =	vadd.s32 v4, v6;
	_ =	sdelay $0x4  }
0x28: {  	[tilespmem:v6+s11+$0x0] =	vst.idx.msk $0xffff, v5  }
0x29: {  	[tilespmem:$0x18410] =	vst v1  }
0x2a: {  	[hbm4b:s2+s13] =	stream.indirect.scatter [tilespmem:s11], [sflag:$0x2], $0x800, s15, s13, $0xb8;
	[tilespmem:$0x18440] =	vst v63  }
0x2b: {  	v6 =	vld [tilespmem:$0x20];
	_ =	sdelay $0x4  }
0x2c: {  	v6 =	vadd.s32 v4, v6;
	_ =	sdelay $0x4  }
0x2d: {  	[tilespmem:v6+s12+$0x0] =	vst.idx.msk $0xffff, v5  }
0x2e: {  	[tilespmem:$0x18420] =	vst v2  }
0x2f: {  	[hbm4b:s2+s13] =	stream.indirect.scatter [tilespmem:s12], [sflag:$0x3], $0x800, s16, s13, $0xb8;
	[tilespmem:$0x18440] =	vst v63  }
0x30: {  	_ =	swait.ge [sflag:s17], $0x8000  }
0x31: {  	[sflag:s17] =	ssyncset.done $0x0  }
0x32: {  	[sflag:s17] =	ssyncadd.s32 $0xFFFF8000  }
0x33: {  	_ =	swait.ge [sflag:s18], $0x8000  }
0x34: {  	[sflag:s18] =	ssyncset.done $0x0  }
0x35: {  	[sflag:s18] =	ssyncadd.s32 $0xFFFF8000  }
0x36: {  	_ =	swait.ge [sflag:s19], $0x8000  }
0x37: {  	[sflag:s19] =	ssyncset.done $0x0  }
0x38: {  	[sflag:s19] =	ssyncadd.s32 $0xFFFF8000  }
0x39: {  	v6 =	vld @!p0 [tilespmem:$0x20];
	_ =	sdelay $0x1  }
0x3a: {  	v7 =	vlaneseq.u32 @!p0  }
0x3b: {  	v7 =	vmul.u32 @!p0 $0x800, v7;
	_ =	sdelay $0x1  }
0x3c: {  	v6 =	vadd.s32 @!p0 v7, v6;
	_ =	sdelay $0x3  }
0x3d: {  	v8 =	vimm.f32 @!p0 $0.0e+00;
	s20 =	simm.s32 @!p0 $0x10400  }
0x3e: {  	s21 =	simm.s32 @!p0 $0x0;
	s22 =	simm.s32 @!p0 $0x18430;
	s23 =	simm.s32 @!p0 $0x4;
	[tilespmem:v6+s20+$0x0] =	vst.idx.msk @!p0 $0xffff, v8  }
0x3f: {  	[tilespmem:s22], [sflag:$0x4] =	stream.linear.gather @!p0 [hbm4b:s5+s21], $0x10, $0x38;
	[tilespmem:$0x18440] =	vst v63  }
0x40: {  	_ =	swait.ge @!p0 [sflag:s23], $0x10  }
0x41: {  	[sflag:s23] =	ssyncset.done @!p0 $0x0  }
0x42: {  	[sflag:s23] =	ssyncadd.s32 @!p0 $0xFFFFFFF0  }
0x43: {  	v6 =	vld.idx.msk @!p0 [tilespmem:v3+s22+$0x0], $0xffff;
	_ =	sdelay $0x4  }
0x44: {  	v6 =	vadd.s32 @!p0 v7, v6;
	_ =	sdelay $0x2  }
0x45: {  	s8 =	sadd.s32 $0xFFFFFFFF, s8  }
0x46: {  	p1 =	sne.s32 s8, $0x0;
	v7 =	vimm.f32 @!p0 $1.000000000e+00  }
.Ltmp0:
0x47: {  	[tilespmem:v6+s20+$0x0] =	vst.idx.msk @!p0 $0x1, v7;
	(pc) =	sbr.rel @p1 .LBB2_1-.Ltmp0, $4  }
0x48: {  	[hbm4b:s7+s21] =	stream.linear.scatter @!p0 [tilespmem:s20], [sflag:$0x4], $0x800, $0x38;
	[tilespmem:$0x18440] =	vst v63  }
0x49: {  	_ =	swait.ge @!p0 [sflag:s23], $0x800  }
0x4a: {  	[sflag:s23] =	ssyncset.done @!p0 $0x0  }
0x4b: {  	[sflag:s23] =	ssyncadd.s32 @!p0 $0xFFFFF800  }
0x4c: {  	_ =	sfence.sel $0x180000  }
0x4d: {  	[bflag:$0x0] =	sbarrier.arrive $0xFFFF  }
0x4e: {  	p0 =	sne.s32 s1, $0x0;
	_ =	strace $0x90000047  }
0x4f: {  	s0 =	sadd.s32 @!p0 $0x100000, s0;
	[bflag:$0x2] =	sbarrier.arrive $0xFFFF  }
0x50: {  	[sflag:s0] =	ssyncadd.tile.s32 @!p0 $0x1;
	_ =	shalt  }
.Lfunc_end2:
_tile_overlayer_lowered:
.L_overlay_start_2:
0x51: {  	(tag) =	ssettag $0x2  }
0x52: {  	s0 =	rddreg [dreg:$0x0];
	s2 =	stileid.u32  }
0x53: {  	s1 =	rddreg [dreg:$0x1];
	p0 =	sne.s32 s2, $0x0  }
0x54: {  	s3 =	rddreg [dreg:$0x2];
	[bflag:$0x3] =	sbarrier.arrive $0xFFFF;
	s2 =	simm.s32 @!p0 $0x1C04  }
0x55: {  	[timem:s3], [sflag:s2] =	dma.local @!p0 [hbm:s0], s1  }
0x56: {  	s0 =	simm.s32 @!p0 $0x4  }
0x57: {  	_ =	swait.ge @!p0 [sflag:s0], s1  }
0x58: {  	s1 =	ssub.s32 @!p0 $0x0, s1;
	[sflag:s0] =	ssyncset.done @!p0 $0x0  }
0x59: {  	[sflag:s0] =	ssyncadd.s32 @!p0 s1  }
0x5a: {  	[bflag:$0x3] =	sbarrier.arrive $0xFFFF  }
0x5b: {  	_ =	shalt  }

</sc_bundles>
